<compile_context>
chip_gen: v7x
topology: tpu7x:2x2x1
jax: 0.10.2.dev20260603
libtpu: 0.0.44.dev20260713+nightly
codegen_flags: <defaults>
</compile_context>

<pallas_src>
import functools

import jax
import jax.numpy as jnp
from jax import lax
from jax.experimental import pallas as pl
from jax.experimental.pallas import tpu as pltpu
from jax.experimental.pallas import tpu_sc as plsc

VOCAB = 100000
DIM = 128
CTX = 20
LATENT = 128

RBLK = 10000
NBLK = VOCAB // RBLK


def _sc_gather(idx, table):
    mesh = plsc.VectorSubcoreMesh(core_axis_name="c", subcore_axis_name="s")

    @functools.partial(
        pl.kernel,
        mesh=mesh,
        out_type=jax.ShapeDtypeStruct((CTX, DIM), jnp.float32),
        scratch_types=[
            pltpu.VMEM((CTX,), jnp.int32),
            pltpu.VMEM((CTX, DIM), jnp.float32),
            pltpu.SemaphoreType.DMA,
        ],
    )
    def gather_k(idx_hbm, table_hbm, out_hbm, idx_v, rows_v, sem):
        wid = lax.axis_index("s") * 2 + lax.axis_index("c")

        @pl.when(wid == 0)
        def _():
            pltpu.sync_copy(idx_hbm, idx_v)
            pltpu.async_copy(table_hbm.at[idx_v], rows_v, sem).wait()
            pltpu.sync_copy(rows_v, out_hbm)

    return gather_k(idx, table)


def _logits_kernel(x_ref, w1_ref, b1_ref, w2_ref, b2_ref,
                   logits_ref, lse_ref, h_scr, acc_scr):
    b = pl.program_id(0)

    @pl.when(b == 0)
    def _():
        h = lax.dot_general(x_ref[...], w1_ref[...],
                            (((1,), (1,)), ((), ())),
                            preferred_element_type=jnp.float32)
        h_scr[0:1, :] = jnp.maximum(h + b1_ref[...], 0.0)
        acc_scr[0] = -jnp.inf
        acc_scr[1] = 0.0

    h = h_scr[0:1, :]
    w2 = w2_ref[0]
    logits = lax.dot_general(h, w2, (((1,), (1,)), ((), ())),
                             preferred_element_type=jnp.float32)
    logits = logits + b2_ref[0]
    logits_ref[0] = logits

    m_old = acc_scr[0]
    m_new = jnp.maximum(m_old, jnp.max(logits))
    s_new = (acc_scr[1] * jnp.exp(m_old - m_new)
             + jnp.sum(jnp.exp(logits - m_new)))
    acc_scr[0] = m_new
    acc_scr[1] = s_new

    @pl.when(b == NBLK - 1)
    def _():
        lse_ref[0, 0] = m_new + jnp.log(s_new)


def _norm_kernel(logits_ref, lse_ref, out_ref):
    out_ref[...] = logits_ref[...] - lse_ref[0, 0]


def kernel(inputs, table, W1, b1, W2, b2):
    idx = inputs.astype(jnp.int32)
    embeds = _sc_gather(idx, table).reshape(1, CTX * DIM)

    w2_blocks = W2.reshape(NBLK, RBLK, DIM)
    b2_blocks = b2.reshape(NBLK, 1, RBLK)

    logits, lse = pl.pallas_call(
        _logits_kernel,
        grid=(NBLK,),
        in_specs=[
            pl.BlockSpec((1, CTX * DIM), lambda b: (0, 0)),
            pl.BlockSpec((LATENT, CTX * DIM), lambda b: (0, 0)),
            pl.BlockSpec((1, LATENT), lambda b: (0, 0)),
            pl.BlockSpec((1, RBLK, DIM), lambda b: (b, 0, 0)),
            pl.BlockSpec((1, 1, RBLK), lambda b: (b, 0, 0)),
        ],
        out_specs=[
            pl.BlockSpec((1, 1, RBLK), lambda b: (b, 0, 0)),
            pl.BlockSpec(memory_space=pltpu.SMEM),
        ],
        out_shape=[
            jax.ShapeDtypeStruct((NBLK, 1, RBLK), jnp.float32),
            jax.ShapeDtypeStruct((1, 1), jnp.float32),
        ],
        scratch_shapes=[
            pltpu.VMEM((8, LATENT), jnp.float32),
            pltpu.SMEM((2,), jnp.float32),
        ],
        compiler_params=pltpu.CompilerParams(
            dimension_semantics=("arbitrary",)),
    )(embeds, W1, b1.reshape(1, LATENT), w2_blocks, b2_blocks)

    log_probs = pl.pallas_call(
        _norm_kernel,
        in_specs=[
            pl.BlockSpec((NBLK, 1, RBLK), lambda: (0, 0, 0)),
            pl.BlockSpec(memory_space=pltpu.SMEM),
        ],
        out_specs=pl.BlockSpec((NBLK, 1, RBLK), lambda: (0, 0, 0)),
        out_shape=jax.ShapeDtypeStruct((NBLK, 1, RBLK), jnp.float32),
    )(logits, lse)

    return log_probs.reshape(1, VOCAB)

# --- scband reference (transcript-rebuilt; emitter-appended) ---
"""Pipeline reference for scband-ngram-langauge-modeler-17197049053561 (READ-ONLY COPY).

The authoritative reference and input builder live on the scoring server;
editing this copy changes nothing except your own understanding.
"""

import jax, jax.numpy as jnp
import numpy as np

VOCAB = 100000
DIM = 128
CTX = 20
LATENT = 128

def setup_inputs(seed: int = 0) -> dict:
    key = jax.random.key(seed)
    k1, k2, k3, k4 = jax.random.split(key, 4)
    inputs = jax.random.randint(k1, (CTX,), 0, VOCAB, dtype=jnp.int64) if jax.config.read('jax_enable_x64') else jax.random.randint(k1, (CTX,), 0, VOCAB)
    table = jax.random.normal(k2, (VOCAB, DIM), dtype=jnp.float32)
    W1 = jax.random.normal(k3, (LATENT, CTX * DIM), dtype=jnp.float32) * 0.02
    b1 = jnp.zeros((LATENT,), dtype=jnp.float32)
    W2 = jax.random.normal(k4, (VOCAB, LATENT), dtype=jnp.float32) * 0.02
    b2 = jnp.zeros((VOCAB,), dtype=jnp.float32)
    return {"inputs": inputs, "table": table, "W1": W1, "b1": b1, "W2": W2, "b2": b2}

def reference(inputs, table, W1, b1, W2, b2):
    # embedding lookup (gather) then flatten to (1, CTX*DIM)
    embeds = jnp.take(table, inputs, axis=0).reshape((1, -1))
    # linear1 + relu (torch Linear: x @ W.T + b)
    h = jax.nn.relu(embeds @ W1.T + b1)
    # linear2
    logits = h @ W2.T + b2
    # log_softmax over vocab
    log_probs = jax.nn.log_softmax(logits, axis=1)
    return log_probs

if __name__ == "__main__":
    import jax
    _d = setup_inputs()
    print(jax.jit(kernel)(*tuple(_d.values())))

</pallas_src>

<mosaic_0001>
#map = affine_map<(d0, d1) -> (0)>
#map1 = affine_map<(d0, d1) -> (0, 0)>
module attributes {stable_mosaic.version = 14 : i64} {
  func.func @gather_k(%arg0: i32, %arg1: i32, %arg2: memref<20xi32, #tpu.memory_space<hbm>>, %arg3: memref<100000x128xf32, #tpu.memory_space<hbm>>, %arg4: memref<20x128xf32, #tpu.memory_space<hbm>>, %arg5: memref<20xi32, #tpu.memory_space<vmem>>, %arg6: memref<20x128xf32, #tpu.memory_space<vmem>>, %arg7: memref<!tpu.dma_semaphore, #tpu.memory_space<semaphore_mem>>) attributes {dimension_semantics = [#tpu.dimension_semantics<core_parallel>, #tpu.dimension_semantics<subcore_parallel>], iteration_bounds = array<i64: 2, 16>, scalar_prefetch = 0 : i64, scratch_operands = 3 : i64, tpu.core_type = #tpu.core_type<sc_vector_subcore>, window_params = [{transform_indices = #map}, {transform_indices = #map1}, {transform_indices = #map1}]} {
    %mul3A = arith.constant 2 : i32
    %mul3A_0 = arith.muli %arg1, %mul3A : i32
    %add3A = arith.addi %mul3A_0, %arg0 : i32
    %eq3A = arith.constant 0 : i32
    %eq3A_1 = arith.cmpi eq, %add3A, %eq3A : i32
    %convert_element_type3A = arith.extui %eq3A_1 : i1 to i32
    %cond3A = arith.constant 0 : i32
    %cond3A_2 = arith.cmpi ne, %convert_element_type3A, %cond3A : i32
    scf.if %cond3A_2 {
      "tpu.region"() ({
        %run_scoped3A = tpu.sem_alloc : memref<!tpu.dma_semaphore, #tpu.memory_space<semaphore_mem>>
        tpu.enqueue_dma source(%arg2 : memref<20xi32, #tpu.memory_space<hbm>>) target(%arg5 : memref<20xi32, #tpu.memory_space<vmem>>) target_semaphore(%run_scoped3A : memref<!tpu.dma_semaphore, #tpu.memory_space<semaphore_mem>>)
        tpu.wait_dma2 semaphore(%run_scoped3A : memref<!tpu.dma_semaphore, #tpu.memory_space<semaphore_mem>>) src(%arg2 : memref<20xi32, #tpu.memory_space<hbm>>) dst(%arg5 : memref<20xi32, #tpu.memory_space<vmem>>)
        tpu.yield
      }) : () -> ()
      %dma_start3A = arith.constant 0 : i32
      %dma_start3A_3 = arith.constant 0 : i32
      %dma_start3A_4 = tpu.memref_slice %arg3[%dma_start3A, %dma_start3A_3] : memref<100000x128xf32, #tpu.memory_space<hbm>> -> memref<100000x128xf32, #tpu.memory_space<hbm>>
      tpu.enqueue_indirect_dma source(%dma_start3A_4 : memref<100000x128xf32, #tpu.memory_space<hbm>>) target(%arg6 : memref<20x128xf32, #tpu.memory_space<vmem>>) offsets(%arg5 : memref<20xi32, #tpu.memory_space<vmem>>) semaphore(%arg7 : memref<!tpu.dma_semaphore, #tpu.memory_space<semaphore_mem>>)
      %dma_wait3A = arith.constant 0 : i32
      %dma_wait3A_5 = arith.constant 0 : i32
      %dma_wait3A_6 = tpu.memref_slice %arg3[%dma_wait3A, %dma_wait3A_5] : memref<100000x128xf32, #tpu.memory_space<hbm>> -> memref<100000x128xf32, #tpu.memory_space<hbm>>
      tpu.wait_indirect_dma semaphore(%arg7 : memref<!tpu.dma_semaphore, #tpu.memory_space<semaphore_mem>>) src(%dma_wait3A_6 : memref<100000x128xf32, #tpu.memory_space<hbm>>) dst(%arg6 : memref<20x128xf32, #tpu.memory_space<vmem>>)
      "tpu.region"() ({
        %run_scoped3A = tpu.sem_alloc : memref<!tpu.dma_semaphore, #tpu.memory_space<semaphore_mem>>
        tpu.enqueue_dma source(%arg6 : memref<20x128xf32, #tpu.memory_space<vmem>>) target(%arg4 : memref<20x128xf32, #tpu.memory_space<hbm>>) target_semaphore(%run_scoped3A : memref<!tpu.dma_semaphore, #tpu.memory_space<semaphore_mem>>)
        tpu.wait_dma2 semaphore(%run_scoped3A : memref<!tpu.dma_semaphore, #tpu.memory_space<semaphore_mem>>) src(%arg6 : memref<20x128xf32, #tpu.memory_space<vmem>>) dst(%arg4 : memref<20x128xf32, #tpu.memory_space<hbm>>)
        tpu.yield
      }) : () -> ()
    } else {
    }
    return
  }
}

module attributes {stable_mosaic.version = 14 : i64} {
  func.func @_norm_kernel(%arg0: memref<10x1x10000xf32, #tpu.memory_space<vmem>>, %arg1: memref<1x1xf32, #tpu.memory_space<smem>>, %arg2: memref<10x1x10000xf32, #tpu.memory_space<vmem>>) attributes {dimension_semantics = [], scalar_prefetch = 0 : i64, scratch_operands = 0 : i64, tpu.core_type = #tpu.core_type<tc>} {
    %get3A = arith.constant 0 : index
    %get3A_0 = arith.constant 0 : index
    %get3A_1 = arith.constant 0 : index
    %get3A_2 = vector.load %arg0[%get3A, %get3A_0, %get3A_1] : memref<10x1x10000xf32, #tpu.memory_space<vmem>>, vector<10x1x10000xf32>
    %get3A_3 = arith.constant 0 : index
    %get3A_4 = arith.constant 0 : index
    %get3A_5 = memref.load %arg1[%get3A_3, %get3A_4] : memref<1x1xf32, #tpu.memory_space<smem>>
    %sub3A = vector.broadcast %get3A_5 : f32 to vector<10x1x10000xf32>
    %sub3A_6 = arith.subf %get3A_2, %sub3A : vector<10x1x10000xf32>
    %swap3A = arith.constant 0 : index
    %swap3A_7 = arith.constant 0 : index
    %swap3A_8 = arith.constant 0 : index
    %swap3A_9 = vector.load %arg2[%swap3A, %swap3A_7, %swap3A_8] : memref<10x1x10000xf32, #tpu.memory_space<vmem>>, vector<10x1x10000xf32>
    tpu.vector_store %arg2[%swap3A, %swap3A_7, %swap3A_8], %sub3A_6 {strides = array<i32>} : memref<10x1x10000xf32, #tpu.memory_space<vmem>>, vector<10x1x10000xf32>,
    return
  }
}

module attributes {stable_mosaic.version = 14 : i64} {
  func.func @_logits_kernel(%arg0: i32, %arg1: memref<1x2560xf32, #tpu.memory_space<vmem>>, %arg2: memref<128x2560xf32, #tpu.memory_space<vmem>>, %arg3: memref<1x128xf32, #tpu.memory_space<vmem>>, %arg4: memref<1x10000x128xf32, #tpu.memory_space<vmem>>, %arg5: memref<1x1x10000xf32, #tpu.memory_space<vmem>>, %arg6: memref<1x1x10000xf32, #tpu.memory_space<vmem>>, %arg7: memref<1x1xf32, #tpu.memory_space<smem>>, %arg8: memref<8x128xf32, #tpu.memory_space<vmem>>, %arg9: memref<2xf32, #tpu.memory_space<smem>>) attributes {dimension_semantics = [#tpu.dimension_semantics<arbitrary>], iteration_bounds = array<i64: 10>, scalar_prefetch = 0 : i64, scratch_operands = 2 : i64, tpu.core_type = #tpu.core_type<tc>, window_params = [{pipeline_mode = #tpu.pipeline_mode<synchronous>, transform_indices = @transform_0, window_bounds = array<i64: 1, 2560>}, {pipeline_mode = #tpu.pipeline_mode<synchronous>, transform_indices = @transform_1, window_bounds = array<i64: 128, 2560>}, {pipeline_mode = #tpu.pipeline_mode<synchronous>, transform_indices = @transform_2, window_bounds = array<i64: 1, 128>}, {transform_indices = @transform_3, window_bounds = array<i64: 1, 10000, 128>}, {transform_indices = @transform_4, window_bounds = array<i64: 1, 1, 10000>}, {transform_indices = @transform_5, window_bounds = array<i64: 1, 1, 10000>}, {transform_indices = @transform_6, window_bounds = array<i64: 1, 1>}]} {
    %eq3A = arith.constant 0 : i32
    %eq3A_0 = arith.cmpi eq, %arg0, %eq3A : i32
    %convert_element_type3A = arith.extui %eq3A_0 : i1 to i32
    %cond3A = arith.constant 0 : i32
    %cond3A_1 = arith.cmpi ne, %convert_element_type3A, %cond3A : i32
    scf.if %cond3A_1 {
      %get3A_45 = arith.constant 0 : index
      %get3A_46 = arith.constant 0 : index
      %get3A_47 = vector.load %arg1[%get3A_45, %get3A_46] : memref<1x2560xf32, #tpu.memory_space<vmem>>, vector<1x2560xf32>
      %get3A_48 = arith.constant 0 : index
      %get3A_49 = arith.constant 0 : index
      %get3A_50 = vector.load %arg2[%get3A_48, %get3A_49] : memref<128x2560xf32, #tpu.memory_space<vmem>>, vector<128x2560xf32>
      %dot_general3A_51 = arith.constant dense<0.000000e+00> : vector<1x128xf32>
      %dot_general3A_52 = tpu.matmul %get3A_47, %get3A_50, %dot_general3A_51 {dimension_numbers = #tpu.dot_dimension_numbers<[1], [1], [0], [0], [0, 0, 1, 0], [], []>, transpose_lhs_hint = false} : vector<1x2560xf32>, vector<128x2560xf32>, vector<1x128xf32> -> vector<1x128xf32>
      %get3A_53 = arith.constant 0 : index
      %get3A_54 = arith.constant 0 : index
      %get3A_55 = vector.load %arg3[%get3A_53, %get3A_54] : memref<1x128xf32, #tpu.memory_space<vmem>>, vector<1x128xf32>
      %add3A_56 = arith.addf %dot_general3A_52, %get3A_55 : vector<1x128xf32>
      %max3A_57 = arith.constant 0.000000e+00 : f32
      %max3A_58 = vector.broadcast %max3A_57 : f32 to vector<1x128xf32>
      %max3A_59 = arith.maximumf %add3A_56, %max3A_58 : vector<1x128xf32>
      %swap3A_60 = arith.constant 0 : index
      %swap3A_61 = arith.constant 0 : index
      %swap3A_62 = vector.load %arg8[%swap3A_60, %swap3A_61] : memref<8x128xf32, #tpu.memory_space<vmem>>, vector<1x128xf32>
      tpu.vector_store %arg8[%swap3A_60, %swap3A_61], %max3A_59 {strides = array<i32>} : memref<8x128xf32, #tpu.memory_space<vmem>>, vector<1x128xf32>,
      %swap3A_63 = arith.constant 0xFF800000 : f32
      %swap3A_64 = arith.constant 0 : index
      %swap3A_65 = memref.load %arg9[%swap3A_64] : memref<2xf32, #tpu.memory_space<smem>>
      memref.store %swap3A_63, %arg9[%swap3A_64] : memref<2xf32, #tpu.memory_space<smem>>
      %swap3A_66 = arith.constant 0.000000e+00 : f32
      %swap3A_67 = arith.constant 1 : index
      %swap3A_68 = memref.load %arg9[%swap3A_67] : memref<2xf32, #tpu.memory_space<smem>>
      memref.store %swap3A_66, %arg9[%swap3A_67] : memref<2xf32, #tpu.memory_space<smem>>
    } else {
    }
    %get3A = arith.constant 0 : index
    %get3A_2 = arith.constant 0 : index
    %get3A_3 = vector.load %arg8[%get3A, %get3A_2] : memref<8x128xf32, #tpu.memory_space<vmem>>, vector<1x128xf32>
    %get3A_4 = arith.constant 0 : index
    %get3A_5 = arith.constant 0 : index
    %get3A_6 = arith.constant 0 : index
    %get3A_7 = vector.load %arg4[%get3A_4, %get3A_5, %get3A_6] : memref<1x10000x128xf32, #tpu.memory_space<vmem>>, vector<1x10000x128xf32>
    %get3A_8 = vector.shape_cast %get3A_7 : vector<1x10000x128xf32> to vector<10000x128xf32>
    %dot_general3A = arith.constant dense<0.000000e+00> : vector<1x10000xf32>
    %dot_general3A_9 = tpu.matmul %get3A_3, %get3A_8, %dot_general3A {dimension_numbers = #tpu.dot_dimension_numbers<[1], [1], [0], [0], [0, 0, 1, 0], [], []>, transpose_lhs_hint = false} : vector<1x128xf32>, vector<10000x128xf32>, vector<1x10000xf32> -> vector<1x10000xf32>
    %get3A_10 = arith.constant 0 : index
    %get3A_11 = arith.constant 0 : index
    %get3A_12 = arith.constant 0 : index
    %get3A_13 = vector.load %arg5[%get3A_10, %get3A_11, %get3A_12] : memref<1x1x10000xf32, #tpu.memory_space<vmem>>, vector<1x1x10000xf32>
    %get3A_14 = vector.shape_cast %get3A_13 : vector<1x1x10000xf32> to vector<1x10000xf32>
    %add3A = arith.addf %dot_general3A_9, %get3A_14 : vector<1x10000xf32>
    %swap3A = arith.constant 0 : index
    %swap3A_15 = arith.constant 0 : index
    %swap3A_16 = arith.constant 0 : index
    %swap3A_17 = vector.load %arg6[%swap3A, %swap3A_15, %swap3A_16] : memref<1x1x10000xf32, #tpu.memory_space<vmem>>, vector<1x1x10000xf32>
    %swap3A_18 = vector.shape_cast %swap3A_17 : vector<1x1x10000xf32> to vector<1x10000xf32>
    %swap3A_19 = vector.shape_cast %add3A : vector<1x10000xf32> to vector<1x1x10000xf32>
    tpu.vector_store %arg6[%swap3A, %swap3A_15, %swap3A_16], %swap3A_19 {strides = array<i32>} : memref<1x1x10000xf32, #tpu.memory_space<vmem>>, vector<1x1x10000xf32>,
    %get3A_20 = arith.constant 0 : index
    %get3A_21 = memref.load %arg9[%get3A_20] : memref<2xf32, #tpu.memory_space<smem>>
    %reduce_max3A = vector.shape_cast %add3A : vector<1x10000xf32> to vector<1x1x10000xf32>
    %reduce_max3A_22 = arith.constant dense<0xFF800000> : vector<1xf32>
    %reduce_max3A_23 = vector.multi_reduction <maximumf>, %reduce_max3A, %reduce_max3A_22 [1, 2] : vector<1x1x10000xf32> to vector<1xf32>
    %reduce_max3A_24 = vector.shape_cast %reduce_max3A_23 : vector<1xf32> to vector<1x1x1xf32>
    %reduce_max3A_25 = vector.extract %reduce_max3A_24[0, 0, 0] : f32 from vector<1x1x1xf32>
    %max3A = arith.maximumf %get3A_21, %reduce_max3A_25 : f32
    %get3A_26 = arith.constant 1 : index
    %get3A_27 = memref.load %arg9[%get3A_26] : memref<2xf32, #tpu.memory_space<smem>>
    %sub3A = arith.subf %get3A_21, %max3A : f32
    %exp3A = math.exp %sub3A : f32
    %mul3A = arith.mulf %get3A_27, %exp3A : f32
    %sub3A_28 = vector.broadcast %max3A : f32 to vector<1x10000xf32>
    %sub3A_29 = arith.subf %add3A, %sub3A_28 : vector<1x10000xf32>
    %exp3A_30 = math.exp %sub3A_29 : vector<1x10000xf32>
    %reduce_sum3A = vector.shape_cast %exp3A_30 : vector<1x10000xf32> to vector<1x1x10000xf32>
    %reduce_sum3A_31 = arith.constant dense<0.000000e+00> : vector<1xf32>
    %reduce_sum3A_32 = vector.multi_reduction <add>, %reduce_sum3A, %reduce_sum3A_31 [1, 2] : vector<1x1x10000xf32> to vector<1xf32>
    %reduce_sum3A_33 = vector.shape_cast %reduce_sum3A_32 : vector<1xf32> to vector<1x1x1xf32>
    %reduce_sum3A_34 = vector.extract %reduce_sum3A_33[0, 0, 0] : f32 from vector<1x1x1xf32>
    %add3A_35 = arith.addf %mul3A, %reduce_sum3A_34 : f32
    %swap3A_36 = arith.constant 0 : index
    %swap3A_37 = memref.load %arg9[%swap3A_36] : memref<2xf32, #tpu.memory_space<smem>>
    memref.store %max3A, %arg9[%swap3A_36] : memref<2xf32, #tpu.memory_space<smem>>
    %swap3A_38 = arith.constant 1 : index
    %swap3A_39 = memref.load %arg9[%swap3A_38] : memref<2xf32, #tpu.memory_space<smem>>
    memref.store %add3A_35, %arg9[%swap3A_38] : memref<2xf32, #tpu.memory_space<smem>>
    %eq3A_40 = arith.constant 9 : i32
    %eq3A_41 = arith.cmpi eq, %arg0, %eq3A_40 : i32
    %convert_element_type3A_42 = arith.extui %eq3A_41 : i1 to i32
    %cond3A_43 = arith.constant 0 : i32
    %cond3A_44 = arith.cmpi ne, %convert_element_type3A_42, %cond3A_43 : i32
    scf.if %cond3A_44 {
      %log3A = math.log %add3A_35 : f32
      %add3A_45 = arith.addf %max3A, %log3A : f32
      %swap3A_46 = arith.constant 0 : index
      %swap3A_47 = arith.constant 0 : index
      %swap3A_48 = memref.load %arg7[%swap3A_46, %swap3A_47] : memref<1x1xf32, #tpu.memory_space<smem>>
      memref.store %add3A_45, %arg7[%swap3A_46, %swap3A_47] : memref<1x1xf32, #tpu.memory_space<smem>>
    } else {
    }
    return
  }
  func.func @transform_0(%arg0: i32) -> (i32, i32) {
    %c0_i32 = arith.constant 0 : i32
    %c0_i32_0 = arith.constant 0 : i32
    %c0_i32_1 = arith.constant 0 : i32
    return %c0_i32, %c0_i32_0 : i32, i32
  }
  func.func @transform_1(%arg0: i32) -> (i32, i32) {
    %c0_i32 = arith.constant 0 : i32
    %c0_i32_0 = arith.constant 0 : i32
    %c0_i32_1 = arith.constant 0 : i32
    return %c0_i32, %c0_i32_0 : i32, i32
  }
  func.func @transform_2(%arg0: i32) -> (i32, i32) {
    %c0_i32 = arith.constant 0 : i32
    %c0_i32_0 = arith.constant 0 : i32
    %c0_i32_1 = arith.constant 0 : i32
    return %c0_i32, %c0_i32_0 : i32, i32
  }
  func.func @transform_3(%arg0: i32) -> (i32, i32, i32) {
    %c0_i32 = arith.constant 0 : i32
    %c0_i32_0 = arith.constant 0 : i32
    %c0_i32_1 = arith.constant 0 : i32
    return %arg0, %c0_i32, %c0_i32_0 : i32, i32, i32
  }
  func.func @transform_4(%arg0: i32) -> (i32, i32, i32) {
    %c0_i32 = arith.constant 0 : i32
    %c0_i32_0 = arith.constant 0 : i32
    %c0_i32_1 = arith.constant 0 : i32
    return %arg0, %c0_i32, %c0_i32_0 : i32, i32, i32
  }
  func.func @transform_5(%arg0: i32) -> (i32, i32, i32) {
    %c0_i32 = arith.constant 0 : i32
    %c0_i32_0 = arith.constant 0 : i32
    %c0_i32_1 = arith.constant 0 : i32
    return %arg0, %c0_i32, %c0_i32_0 : i32, i32, i32
  }
  func.func @transform_6(%arg0: i32) -> (i32, i32) {
    %c0_i32 = arith.constant 0 : i32
    %c0_i32_0 = arith.constant 0 : i32
    %c0_i32_1 = arith.constant 0 : i32
    return %c0_i32, %c0_i32_0 : i32, i32
  }
}

</mosaic_0001>

<sc_bundles>
// kernel: kernel.5.cloned.1.call-start
scs
__scs_entry_jumppad:
0x0: {  	(pc) =	sbr.rel $0x88, $3  }
0x1: {  	(tag) =	ssettag $0x0;
	lr =	simm.s32 $0x1  }
0x2: {  	[smem:$0x3F9B] =	sst lr;
	_ =	strace $0xD0000000  }
0x3: {  	_ = 	snop  }
0x4: {  	_ = 	snop  }
0x5: {  	_ = 	snop  }
0x6: {  	_ = 	snop  }
0x7: {  	_ = 	snop  }
__scs_overlays_trampoline_lowered:
0x8: {  	[smem:$0x3FAA] =	sst s0  }
0x9: {  	[smem:$0x3FAB] =	sst s1  }
0xa: {  	[smem:$0x3FAC] =	sst s2  }
0xb: {  	[smem:$0x3FAD] =	sst s3  }
0xc: {  	[smem:$0x3FAE] =	sst s4  }
0xd: {  	[smem:$0x3FAF] =	sst s5  }
0xe: {  	[smem:$0x3FB0] =	sst s6  }
0xf: {  	[smem:$0x3FB1] =	sst s7  }
0x10: {  	[smem:$0x3FB2] =	sst s8  }
0x11: {  	[smem:$0x3FB3] =	sst s9;
	s0 =	simm.s32 @!p0 $0x0  }
0x12: {  	s1 =	sld [smem:$0x3F99];
	s0 =	simm.s32 @p0 $0x1  }
0x13: {  	[smem:$0x3FB4] =	sst s0;
	s0 =	simm.s32 @!p1 $0x0  }
0x14: {  	s2 =	sld [smem:$0x3F98];
	s0 =	simm.s32 @p1 $0x1  }
0x15: {  	[smem:$0x3FB5] =	sst s0;
	s0 =	simm.s32 @!p2 $0x0  }
0x16: {  	s3 =	sld [smem:$0x3FDB];
	s0 =	simm.s32 @p2 $0x1  }
0x17: {  	s4 =	simm.s32 $0x1BF5;
	[smem:$0x3FB7] =	sst s0  }
0x18: {  	s0 =	sld [smem:$0x3F9A];
	_ =	swait.ge [sflag:s4], $0x0  }
0x19: {  	s7 =	sld [smem:$0x3F9B]  }
0x1a: {  	s8 =	sadd.s32 $0xFFFFE003, lr  }
0x1b: {  	s9 =	sadd.s32 $0xFFFFFEF7, lr;
	s5 =	simm.s32 $0xFFFFFFFF;
	p2 =	slt.u32 s8, $0xFFFFF086  }
0x1c: {  	p1 =	slt.u32 s9, $0xF7A;
	s5 =	simm.s32 @!p2 $0x0  }
0x1d: {  	s5 =	simm.s32 @p1 $0x1;
	p0 =	seq.s32 s7, s2  }
0x1e: {  	s7 =	smul.u32 @!p0 $0xF7A, s2;
	p2 =	seq.s32 @!p0 s5, $0x0  }
0x1f: {  	s9 =	smul.u32 $0xF7A, s1;
	s8 =	simm.s32 @!p0 $0x1BF5;
	p2 =	por !p2, p0  }
0x20: {  	[sflag:s8] =	ssyncset.s32 @!p0 $0xFFFFF086;
	s6 =	sadd.s32 @!p0 s3, s7;
	s7 =	simm.s32 @!p0 $0x108  }
0x21: {  	s3 =	sadd.s32 s3, s9;
	s6 =	sadd.s32 @!p0 $0x88, s6;
	s7 =	simm.s32 @p2 $0x1082  }
0x22: {  	[simem:s7], [sflag:s8] =	dma.local @!p0 [hbm:s6], $0xF7A  }
0x23: {  	s9 =	sor.u32 $0xD0000000, s2;
	s6 =	simm.s32 $0x108;
	_ =	swait.ge @!p0 [sflag:s8], $0x0  }
0x24: {  	s3 =	sadd.s32 $0x88, s3;
	s6 =	simm.s32 @!p1 $0x1082;
	[sflag:s4] =	ssyncset.s32 $0xFFFFF086  }
0x25: {  	[simem:s6], [sflag:s4] =	dma.local [hbm:s3], $0xF7A  }
0x26: {  	[smem:$0x3F9B] =	sst s1;
	(tag) =	ssettag s2;
	_ =	strace s9  }
0x27: {  	s1 =	sld [smem:$0x3FAB]  }
0x28: {  	s2 =	sld [smem:$0x3FAC]  }
0x29: {  	s4 =	sld [smem:$0x3FAE]  }
0x2a: {  	p0 =	seq.s32 s5, $0x0;
	s5 =	sld [smem:$0x3FAF]  }
0x2b: {  	s6 =	sld [smem:$0x3FB0]  }
0x2c: {  	s7 =	sld [smem:$0x3FB1]  }
0x2d: {  	s3 =	simm.s32 $0x108;
	s8 =	sld [smem:$0x3FB2]  }
0x2e: {  	s3 =	simm.s32 @!p0 $0x1082;
	s9 =	sld [smem:$0x3FB3]  }
0x2f: {  	lr =	sadd.s32 s0, s3;
	s0 =	sld [smem:$0x3FAA]  }
0x30: {  	s3 =	sld [smem:$0x3FAD]  }
0x31: {  	[smem:$0x3FB6] =	sst s10  }
0x32: {  	s10 =	sld [smem:$0x3FB4];
	_ =	sdelay $0x3  }
0x33: {  	p0 =	seq.s32 s10, $0x1;
	s10 =	sld [smem:$0x3FB6];
	_ =	sdelay $0x3  }
0x34: {  	[smem:$0x3FB6] =	sst s10  }
0x35: {  	s10 =	sld [smem:$0x3FB5];
	_ =	sdelay $0x3  }
0x36: {  	p1 =	seq.s32 s10, $0x1;
	s10 =	sld [smem:$0x3FB6];
	_ =	sdelay $0x3  }
0x37: {  	[smem:$0x3FB6] =	sst s10  }
0x38: {  	s10 =	sld [smem:$0x3FB7]  }
0x39: {  	_ = 	snop;
	(pc) =	sbr.ind lr, $3  }
0x3a: {  	_ = 	snop  }
0x3b: {  	_ = 	snop  }
0x3c: {  	p2 =	seq.s32 s10, $0x1;
	s10 =	sld [smem:$0x3FB6]  }
0x3d: {  	_ =	shalt  }
0x3e: {  	_ =	shalt  }
0x3f: {  	_ =	shalt  }
0x40: {  	_ =	shalt  }
0x41: {  	_ =	shalt  }
0x42: {  	_ =	shalt  }
0x43: {  	_ =	shalt  }
0x44: {  	_ =	shalt  }
0x45: {  	_ =	shalt  }
0x46: {  	_ =	shalt  }
0x47: {  	_ =	shalt  }
0x48: {  	_ =	shalt  }
0x49: {  	_ =	shalt  }
0x4a: {  	_ =	shalt  }
0x4b: {  	_ =	shalt  }
0x4c: {  	_ =	shalt  }
0x4d: {  	_ =	shalt  }
0x4e: {  	_ =	shalt  }
0x4f: {  	_ =	shalt  }
0x50: {  	_ =	shalt  }
0x51: {  	_ =	shalt  }
0x52: {  	_ =	shalt  }
0x53: {  	_ =	shalt  }
0x54: {  	_ =	shalt  }
0x55: {  	_ =	shalt  }
0x56: {  	_ =	shalt  }
0x57: {  	_ =	shalt  }
0x58: {  	_ =	shalt  }
0x59: {  	_ =	shalt  }
0x5a: {  	_ =	shalt  }
0x5b: {  	_ =	shalt  }
0x5c: {  	_ =	shalt  }
0x5d: {  	_ =	shalt  }
0x5e: {  	_ =	shalt  }
0x5f: {  	_ =	shalt  }
0x60: {  	_ =	shalt  }
0x61: {  	_ =	shalt  }
0x62: {  	_ =	shalt  }
0x63: {  	_ =	shalt  }
0x64: {  	_ =	shalt  }
0x65: {  	_ =	shalt  }
0x66: {  	_ =	shalt  }
0x67: {  	_ =	shalt  }
0x68: {  	_ =	shalt  }
0x69: {  	_ =	shalt  }
0x6a: {  	_ =	shalt  }
0x6b: {  	_ =	shalt  }
0x6c: {  	_ =	shalt  }
0x6d: {  	_ =	shalt  }
0x6e: {  	_ =	shalt  }
0x6f: {  	_ =	shalt  }
0x70: {  	_ =	shalt  }
0x71: {  	_ =	shalt  }
0x72: {  	_ =	shalt  }
0x73: {  	_ =	shalt  }
0x74: {  	_ =	shalt  }
0x75: {  	_ =	shalt  }
0x76: {  	_ =	shalt  }
0x77: {  	_ =	shalt  }
0x78: {  	_ =	shalt  }
0x79: {  	_ =	shalt  }
0x7a: {  	_ =	shalt  }
0x7b: {  	_ =	shalt  }
0x7c: {  	_ =	shalt  }
0x7d: {  	_ =	shalt  }
0x7e: {  	_ =	shalt  }
0x7f: {  	_ =	shalt  }
0x80: {  	_ =	shalt  }
0x81: {  	_ =	shalt  }
0x82: {  	_ =	shalt  }
0x83: {  	_ =	shalt  }
0x84: {  	_ =	shalt  }
0x85: {  	_ =	shalt  }
0x86: {  	_ =	shalt  }
0x87: {  	_ =	shalt  }
.Lfunc_end0:
.L_simem_size_0:
called_computation_lowered:
.L_overlay_start_0:
0x88: {  	s2 =	sld [smem:$0x3FD9]  }
0x89: {  	s3 =	sld [smem:$0x3FFE];
	_ =	sdelay $0x1  }
0x8a: {  	s1 =	srdreg.scid  }
0x8b: {  	s0 =	sand.u32 $0x1, s1  }
0x8c: {  	s18 =	sshll.u32 s0, $0xA;
	s2 =	sadd.s32 s3, s2  }
0x8d: {  	s2 =	sadd.s32 s2, s18  }
0x8e: {  	[smem:$0x3FC2] =	sst s2  }
0x8f: {  	_ = 	snop  }
0x90: {  	s2 =	sld [smem:$0x3FC9]  }
0x91: {  	s19 =	sld [smem:$0x3FC8]  }
0x92: {  	s4 =	sld [smem:$0x3FD0];
	(tm) =	ssettm $0x1  }
0x93: {  	s5 =	sld [smem:$0x3FFB];
	_ =	sdelay $0x3  }
0x94: {  	_ =	strace s5  }
0x95: {  	s5 =	sld [smem:$0x3FFC];
	_ =	sdelay $0x3  }
0x96: {  	_ =	strace s5  }
0x97: {  	s5 =	sld [smem:$0x3FFD];
	_ =	sdelay $0x3  }
0x98: {  	_ =	strace s5  }
0x99: {  	_ =	strace $0x8FFFFFFF  }
0x9a: {  	s20 =	sld [smem:$0x3FDB];
	_ =	sdelay $0x1  }
0x9b: {  	s6 =	simm.s32 $_scs_section_size  }
0x9c: {  	s7 =	simm.s32 $_size__tile_overlayer_lowered;
	s8 =	simm.s32 $_tile_overlayer_lowered  }
0x9d: {  	s23 =	simm.s32 $0x1BFF;
	s22 =	sshll.u32 s8, $0x1;
	s5 =	sadd.s32 s6, s20  }
0x9e: {  	s9 =	simm.s32 $0x0;
	s21 =	sshll.u32 s7, $0x1;
	s7 =	sadd.s32 s22, s5  }
0x9f: {  	[timem:s9], [sflag:s23] =	dma.local [hbm:s7], s21  }
0xa0: {  	_ =	swait.ge [sflag:s23], s21  }
0xa1: {  	s6 =	ssub.s32 $0x0, s21;
	[sflag:s23] =	ssyncset.done $0x0  }
0xa2: {  	[sflag:s23] =	ssyncadd.s32 s6;
	_ =	sdelay $0x1  }
0xa3: {  	s24 =	simm.s32 $0x1B8B  }
0xa4: {  	_ =	swait.ge [sflag:s24], $0x1  }
0xa5: {  	[sflag:s24] =	ssyncset.done $0x0  }
0xa6: {  	s25 =	simm.s32 $0x1B8E;
	[sflag:s24] =	ssyncadd.s32 $0xFFFFFFFF  }
0xa7: {  	s26 =	simm.s32 $execute0_lowered;
	[smem:$0x3FD2] =	sst s25  }
0xa8: {  	s6 =	sshll.u32 s26, $0x1;
	_ =	strace $0x80000046;
	[dreg:$0x1] =	wrdreg $0xFFFFFFFF  }
0xa9: {  	s28 =	simm.s32 $_size_execute0_lowered;
	s5 =	sadd.s32 s5, s6;
	[dreg:$0x0] =	wrdreg $0x0  }
0xaa: {  	s6 =	sshll.u32 s28, $0x1;
	[dreg:$0x2] =	wrdreg s5  }
0xab: {  	[dreg:$0x3] =	wrdreg s6  }
0xac: {  	[dreg:$0x4] =	wrdreg $0xC0  }
0xad: {  	_ =	task [dreg:s9], $0x5FFFF  }
0xae: {  	[dreg:$0x1] =	wrdreg $0xFFFFFFFF  }
0xaf: {  	[dreg:$0x0] =	wrdreg $0x60  }
0xb0: {  	[dreg:$0x2] =	wrdreg s2  }
0xb1: {  	[dreg:$0x3] =	wrdreg s19  }
0xb2: {  	[dreg:$0x4] =	wrdreg s4  }
0xb3: {  	[dreg:$0x5] =	wrdreg $0x9  }
0xb4: {  	_ =	task.clear_ibuf [dreg:s9], $0x6FFFF;
	_ =	strace $0x90000046  }
0xb5: {  	s29 =	simm.s32 $0x9;
	_ =	strace $0x80000048  }
0xb6: {  	_ =	swait.ge [sflag:s29], $0x1  }
0xb7: {  	[sflag:s29] =	ssyncadd.s32 $0xFFFFFFFF  }
0xb8: {  	_ =	strace $0x90000048  }
0xb9: {  	_ =	sfence  }
0xba: {  	s30 =	sld [smem:$0x0];
	_ =	sdelay $0x2  }
0xbb: {  	s31 =	sshll.u32 s1, $0xD;
	s1 =	sshrl.u32 s1, $0x2  }
0xbc: {  	s3 =	sand.u32 $0x4000, s31;
	s1 =	sadd.s32 s1, s30  }
0xbd: {  	s0 =	sor.u32 s3, s0;
	s1 =	sshll.u32 s1, $0x11  }
0xbe: {  	s0 =	sor.u32 s1, s0  }
0xbf: {  	s0 =	sadd.s32 $0x8F2B, s0  }
0xc0: {  	[sflag:s0] =	ssyncadd.remote.s32 $0x1  }
0xc1: {  	_ =	sfence.sel $0xFFFF  }
0xc2: {  	[dreg:$0x0] =	wrdreg $0xFFFFFFFF;
	(pc) =	sbr.abs _section_cstart, $3  }
0xc3: {  	[dreg:$0x1] =	wrdreg $0xFFFFFFFF  }
0xc4: {  	_ =	task.clear_ibuf [dreg:s9], $0x2FFFF;
	_ =	strace $0x9FFFFFFF  }
0xc5: {  	(tm) =	ssettm $0x7FFFFFFF  }
tec
execute0_lowered:
.L_overlay_start_1:
0x0: {  	(tag) =	ssettag $0x1  }
0x1: {  	s0 =	srdreg.scid  }
0x2: {  	s7 =	sand.u32 $0x1, s0;
	s0 =	stileid.u32  }
0x3: {  	s5 =	sshll.u32 s0, $0x1;
	s6 =	ssub.s32 $0x0, s7  }
0x4: {  	p0 =	sne.s32 s5, s6  }
.Ltmp0:
0x5: {  	_ = 	snop;
	(pc) =	sbr.rel @p0 .LBB2_4-.Ltmp0, $4  }
0x6: {  	s2 =	rddreg [dreg:$0x0]  }
0x7: {  	s3 =	rddreg [dreg:$0x1]  }
0x8: {  	s4 =	rddreg [dreg:$0x2]  }
0x9: {  	s1 =	rddreg [dreg:$0x3];
	_ =	strace $0x80000047  }
0xa: {  	s6 =	simm.s32 $0x0;
	s5 =	simm.s32 $0x2;
	s10 =	ssub.s32 $0x2, s7  }
0xb: {  	[tilespmem:s6], [sflag:$0x2] =	stream.linear.gather [hbm4b:s2+s6], $0x80, $0x38;
	[tilespmem:$0xC80] =	vst v63  }
0xc: {  	s7 =	simm.s32 $0x14;
	s11 =	sshrl.u32 s10, $0x1;
	_ =	swait.ge [sflag:s5], $0x80  }
0xd: {  	s8 =	simm.s32 $0x80;
	s10 =	ssub.s32 s10, s11;
	[sflag:s5] =	ssyncset.done $0x0  }
0xe: {  	s9 =	simm.s32 $0x1;
	s10 =	smax.u32 s10, $0x1;
	[sflag:s5] =	ssyncadd.s32 $0xFFFFFF80  }
0xf: {  	[tilespmem:s8], [sflag:$0x1] =	stream.indirect.gather [hbm4b:s3+s7], $0x80, s6, s7, $0xb8;
	[tilespmem:$0xC80] =	vst v63  }
0x10: {  	p0 =	sne.s32 s10, $0x1;
	_ =	swait.ge [sflag:s9], $0xA00  }
.Ltmp1:
0x11: {  	[sflag:s9] =	ssyncset.done $0x0;
	(pc) =	sbr.rel @!p0 .LBB2_3-.Ltmp1, $4  }
0x12: {  	[sflag:s9] =	ssyncadd.s32 $0xFFFFF600  }
0x13: {  	[hbm4b:s4+s6] =	stream.linear.scatter [tilespmem:s8], [sflag:$0x2], $0xA00, $0x38;
	[tilespmem:$0xC80] =	vst v63  }
0x14: {  	_ =	swait.ge [sflag:s5], $0xA00  }
0x15: {  	s10 =	sadd.s32 $0xFFFFFFFF, s10;
	[sflag:s5] =	ssyncset.done $0x0  }
.LBB2_2:
0x16: {  	p0 =	sne.s32 s10, $0x1;
	s10 =	sadd.s32 $0xFFFFFFFF, s10;
	[sflag:s5] =	ssyncadd.s32 $0xFFFFF600  }
0x17: {  	[tilespmem:s6], [sflag:$0x2] =	stream.linear.gather [hbm4b:s2+s6], $0x80, $0x38;
	[tilespmem:$0xC80] =	vst v63  }
0x18: {  	_ =	swait.ge [sflag:s5], $0x80  }
0x19: {  	[sflag:s5] =	ssyncset.done $0x0  }
0x1a: {  	[sflag:s5] =	ssyncadd.s32 $0xFFFFFF80  }
0x1b: {  	[tilespmem:s8], [sflag:$0x1] =	stream.indirect.gather [hbm4b:s3+s7], $0x80, s6, s7, $0xb8;
	[tilespmem:$0xC80] =	vst v63  }
0x1c: {  	_ =	swait.ge [sflag:s9], $0xA00  }
.Ltmp2:
0x1d: {  	[sflag:s9] =	ssyncset.done $0x0;
	(pc) =	sbr.rel @p0 .LBB2_2-.Ltmp2, $4  }
0x1e: {  	[sflag:s9] =	ssyncadd.s32 $0xFFFFF600  }
0x1f: {  	[hbm4b:s4+s6] =	stream.linear.scatter [tilespmem:s8], [sflag:$0x2], $0xA00, $0x38;
	[tilespmem:$0xC80] =	vst v63  }
0x20: {  	_ =	swait.ge [sflag:s5], $0xA00  }
0x21: {  	[sflag:s5] =	ssyncset.done $0x0  }
.LBB2_3:
0x22: {  	[sflag:s5] =	ssyncadd.s32 $0xFFFFF600  }
.LBB2_4:
0x23: {  	_ =	sfence.sel $0x180000  }
0x24: {  	[bflag:$0x0] =	sbarrier.arrive $0xFFFF  }
0x25: {  	p0 =	sne.s32 s0, $0x0;
	_ =	strace $0x90000047  }
0x26: {  	s0 =	sadd.s32 @!p0 $0x100000, s1;
	[bflag:$0x2] =	sbarrier.arrive $0xFFFF  }
0x27: {  	[sflag:s0] =	ssyncadd.tile.s32 @!p0 $0x1;
	_ =	shalt  }
.Lfunc_end2:
_tile_overlayer_lowered:
.L_overlay_start_2:
0x28: {  	(tag) =	ssettag $0x2  }
0x29: {  	s0 =	rddreg [dreg:$0x0];
	s2 =	stileid.u32  }
0x2a: {  	s1 =	rddreg [dreg:$0x1];
	p0 =	sne.s32 s2, $0x0  }
0x2b: {  	s3 =	rddreg [dreg:$0x2];
	[bflag:$0x3] =	sbarrier.arrive $0xFFFF;
	s2 =	simm.s32 @!p0 $0x1C02  }
0x2c: {  	[timem:s3], [sflag:s2] =	dma.local @!p0 [hbm:s0], s1  }
0x2d: {  	s0 =	simm.s32 @!p0 $0x2  }
0x2e: {  	_ =	swait.ge @!p0 [sflag:s0], s1  }
0x2f: {  	s1 =	ssub.s32 @!p0 $0x0, s1;
	[sflag:s0] =	ssyncset.done @!p0 $0x0  }
0x30: {  	[sflag:s0] =	ssyncadd.s32 @!p0 s1  }
0x31: {  	[bflag:$0x3] =	sbarrier.arrive $0xFFFF  }
0x32: {  	_ =	shalt  }

</sc_bundles>
